<compile_context>
chip_gen: v7x
topology: tpu7x:2x2x1
jax: 0.10.2.dev20260603
libtpu: 0.0.44.dev20260713+nightly
codegen_flags: <defaults>
</compile_context>

<pallas_src>
import numpy as np

import jax
import jax.numpy as jnp
from jax import lax
from jax.experimental import pallas as pl
from jax.experimental.pallas import tpu as pltpu

_B, _D, _K = 16384, 128, 64
_TB = 2048

_LOG2PI_HALF = np.float32(0.5 * np.log(2.0 * np.pi))



def _np_threefry2x32(k0, k1, x0, x1):
    k0 = np.uint32(k0)
    k1 = np.uint32(k1)
    ks2 = np.uint32(k0 ^ k1 ^ np.uint32(0x1BD11BDA))
    R0 = (13, 15, 26, 6)
    R1 = (17, 29, 16, 24)

    def rotl(v, r):
        return (v << np.uint32(r)) | (v >> np.uint32(32 - r))

    def group(x0, x1, rots):
        for r in rots:
            x0 = (x0 + x1).astype(np.uint32)
            x1 = rotl(x1, r)
            x1 = x1 ^ x0
        return x0, x1

    x0 = (x0 + k0).astype(np.uint32)
    x1 = (x1 + k1).astype(np.uint32)
    x0, x1 = group(x0, x1, R0)
    x0, x1 = (x0 + k1).astype(np.uint32), (x1 + ks2 + np.uint32(1)).astype(np.uint32)
    x0, x1 = group(x0, x1, R1)
    x0, x1 = (x0 + ks2).astype(np.uint32), (x1 + k0 + np.uint32(2)).astype(np.uint32)
    x0, x1 = group(x0, x1, R0)
    x0, x1 = (x0 + k0).astype(np.uint32), (x1 + k1 + np.uint32(3)).astype(np.uint32)
    x0, x1 = group(x0, x1, R1)
    x0, x1 = (x0 + k1).astype(np.uint32), (x1 + ks2 + np.uint32(4)).astype(np.uint32)
    x0, x1 = group(x0, x1, R0)
    x0, x1 = (x0 + ks2).astype(np.uint32), (x1 + k0 + np.uint32(5)).astype(np.uint32)
    return x0, x1


def _np_seed_key(seed):
    return np.uint32(0), np.uint32(seed)


def _np_split(k0, k1, num):
    hi = np.zeros((num,), np.uint32)
    lo = np.arange(num, dtype=np.uint32)
    b1, b2 = _np_threefry2x32(k0, k1, hi, lo)
    return np.stack([b1, b2], axis=-1)


def _np_random_bits(k0, k1, shape):
    flat = np.arange(np.prod(shape), dtype=np.uint64)
    hi = (flat >> np.uint64(32)).astype(np.uint32)
    lo = flat.astype(np.uint32)
    b1, b2 = _np_threefry2x32(k0, k1, hi, lo)
    return (b1 ^ b2).reshape(shape)


def _np_bits_to_u01(bits):
    fb = (bits >> np.uint32(9)) | np.uint32(0x3F800000)
    return fb.view(np.float32) - np.float32(1.0)


def _np_erfinv_f32(x):
    with np.errstate(divide="ignore"):
        w = -np.log1p(np.float32(-1.0) * x * x).astype(np.float32)
    small = w < np.float32(5.0)
    w1 = (w - np.float32(2.5)).astype(np.float32)
    w2 = (np.sqrt(np.where(small, np.float32(5.0), w)) - np.float32(3.0)).astype(np.float32)
    p1 = np.full_like(x, 2.81022636e-08, dtype=np.float32)
    for c in (3.43273939e-07, -3.5233877e-06, -4.39150654e-06, 0.00021858087,
              -0.00125372503, -0.00417768164, 0.246640727, 1.50140941):
        p1 = (p1 * w1 + np.float32(c)).astype(np.float32)
    p2 = np.full_like(x, -0.000200214257, dtype=np.float32)
    for c in (0.000100950558, 0.00134934322, -0.00367342844, 0.00573950773,
              -0.0076224613, 0.00943887047, 1.00167406, 2.83297682):
        p2 = (p2 * w2 + np.float32(c)).astype(np.float32)
    return (np.where(small, p1, p2) * x).astype(np.float32)


def _np_uniform01(k0, k1, shape):
    return _np_bits_to_u01(_np_random_bits(k0, k1, shape))


def _np_normal(k0, k1, shape):
    u01 = _np_uniform01(k0, k1, shape)
    lo = np.float32(np.nextafter(np.float32(-1.0), np.float32(0.0)))
    hi = np.float32(1.0)
    u = np.maximum(lo, (u01 * (hi - lo) + lo).astype(np.float32))
    return (np.float32(np.sqrt(2.0)) * _np_erfinv_f32(u)).astype(np.float32)


def _make_noise():
    k0, k1 = _np_seed_key(42)
    sub = _np_split(k0, k1, 5)
    shape = (_B, _K)
    tiny = np.float32(np.finfo(np.float32).tiny)
    f0 = _np_uniform01(sub[0, 0], sub[0, 1], shape)
    u_gumbel = np.maximum(tiny, (f0 * (np.float32(1.0) - tiny) + tiny).astype(np.float32))
    param_m = _np_uniform01(sub[1, 0], sub[1, 1], shape)
    param_s = _np_uniform01(sub[2, 0], sub[2, 1], shape)
    n1 = _np_normal(sub[3, 0], sub[3, 1], shape)
    n2 = _np_normal(sub[4, 0], sub[4, 1], shape)
    return u_gumbel, param_m, param_s, n1, n2


_U_GUMBEL, _PARAM_M, _PARAM_S, _N1, _N2 = _make_noise()
_PM_PS = np.concatenate([_PARAM_M, _PARAM_S], axis=1)
_N1_N2 = np.concatenate([_N1, _N2], axis=1)



def _softplus(x):
    return jnp.maximum(x, 0.0) + jnp.log1p(jnp.exp(-jnp.abs(x)))


def _normal_logpdf(x, mu, sigma):
    z = (x - mu) / sigma
    return -0.5 * z * z - jnp.log(sigma) - _LOG2PI_HALF


def _logits_kernel(x1_ref, x2_ref, Wm_ref, Wint_ref, bias_ref, lg_ref):
    b_mean = bias_ref[0:1, :]
    b_int = bias_ref[2:3, :]
    m1 = lax.dot_general(
        x1_ref[...], Wm_ref[...], (((1,), (0,)), ((), ())),
        precision=lax.Precision.DEFAULT, preferred_element_type=jnp.float32)
    m2 = lax.dot_general(
        x2_ref[...], Wm_ref[...], (((1,), (0,)), ((), ())),
        precision=lax.Precision.DEFAULT, preferred_element_type=jnp.float32)
    lg = lax.dot_general(
        jnp.abs((m1 + b_mean) - (m2 + b_mean)), Wint_ref[...],
        (((1,), (0,)), ((), ())),
        precision=lax.Precision.DEFAULT, preferred_element_type=jnp.float32)
    lg_ref[...] = lg + b_int


def _ilcm_kernel(x1_ref, x2_ref, Wc_ref, bias_ref, idx_ref, lqi_ref,
                 pmps_ref, n12_ref,
                 e1_ref, e2_ref, iv_ref, lq_ref):
    k = _K

    b_mean = bias_ref[0:1, :]
    b_logstd = bias_ref[1:2, :]

    m1 = lax.dot_general(
        x1_ref[...], Wc_ref[...], (((1,), (0,)), ((), ())),
        precision=lax.Precision.DEFAULT, preferred_element_type=jnp.float32)
    m2 = lax.dot_general(
        x2_ref[...], Wc_ref[...], (((1,), (0,)), ((), ())),
        precision=lax.Precision.DEFAULT, preferred_element_type=jnp.float32)
    e1m = m1[:, :k] + b_mean
    e1s = _softplus(m1[:, k:] + b_logstd) + np.float32(1e-4)
    e2m = m2[:, :k] + b_mean
    e2s = _softplus(m2[:, k:] + b_logstd) + np.float32(1e-4)

    idx = idx_ref[...]
    log_q_i = lqi_ref[...]
    intervened = lax.broadcasted_iota(jnp.int32, e1m.shape, 1) == idx
    iv = intervened.astype(jnp.float32)

    pmps = pmps_ref[...]
    n12 = n12_ref[...]
    param_m = pmps[:, :k]
    param_s = pmps[:, k:]
    n1 = n12[:, :k]
    n2 = n12[:, k:]

    avg_mean = param_m * e1m + (1.0 - param_m) * e2m
    avg_std = param_s * e1s + (1.0 - param_s) * e2s
    eps_mean = jnp.where(intervened, e1m, avg_mean)
    eps_std = jnp.where(intervened, e1s, avg_std)

    e1 = eps_mean + eps_std * n1
    log_q_e1 = _normal_logpdf(e1, eps_mean, eps_std)

    e2_int = e2m + e2s * n2
    e2 = jnp.where(intervened, e2_int, e1)
    log_q_e2 = jnp.where(intervened, _normal_logpdf(e2, e2m, e2s),
                         np.float32(0.0))

    e1_ref[...] = e1
    e2_ref[...] = e2
    iv_ref[...] = iv
    lq_ref[...] = log_q_e1 + log_q_e2 + log_q_i


def kernel(x1, x2, W_mean, b_mean, W_logstd, b_logstd, W_int, b_int):
    B, D = x1.shape
    K = W_mean.shape[1]

    Wc = jnp.concatenate([W_mean, W_logstd], axis=1)
    bias = jnp.zeros((8, K), jnp.float32)
    bias = bias.at[0].set(b_mean).at[1].set(b_logstd).at[2].set(b_int)

    e1_mean = x1 @ W_mean + b_mean
    e2_mean = x2 @ W_mean + b_mean
    logits = jnp.abs(e1_mean - e2_mean) @ W_int + b_int
    probs = jax.nn.softmax(logits, axis=-1)
    lp = jnp.log(probs + 1e-12)
    gumbel = -jnp.log(-jnp.log(jnp.asarray(_U_GUMBEL)))
    idx = jnp.argmax(gumbel + lp, axis=-1)
    idx2d = idx.astype(jnp.int32)[:, None]
    lqi2d = jnp.take_along_axis(lp, idx2d, axis=-1)

    out_shape = (
        jax.ShapeDtypeStruct((B, K), jnp.float32),
        jax.ShapeDtypeStruct((B, K), jnp.float32),
        jax.ShapeDtypeStruct((B, K), jnp.float32),
        jax.ShapeDtypeStruct((B, K), jnp.float32),
    )
    row_spec_d = pl.BlockSpec((_TB, D), lambda i: (i, 0))
    row_spec_k = pl.BlockSpec((_TB, K), lambda i: (i, 0))
    row_spec_1 = pl.BlockSpec((_TB, 1), lambda i: (i, 0))
    full = lambda shape: pl.BlockSpec(shape, lambda i: (0,) * len(shape))

    e1, e2, intervention, log_q = pl.pallas_call(
        _ilcm_kernel,
        grid=(B // _TB,),
        in_specs=[
            row_spec_d,
            row_spec_d,
            full((D, 2 * K)),
            full((8, K)),
            row_spec_1,
            row_spec_1,
            row_spec_d,
            row_spec_d,
        ],
        out_specs=(row_spec_k, row_spec_k, row_spec_k, row_spec_k),
        out_shape=out_shape,
        compiler_params=pltpu.CompilerParams(
            dimension_semantics=("arbitrary",),
        ),
    )(x1, x2, Wc, bias, idx2d, lqi2d,
      jnp.asarray(_PM_PS), jnp.asarray(_N1_N2))

    return (e1, e2, intervention, log_q)

# --- scband reference (transcript-rebuilt; emitter-appended) ---
"""Pipeline reference for scband-ilcmencoder-22711787061478 (READ-ONLY COPY).

The authoritative reference and input builder live on the scoring server;
editing this copy changes nothing except your own understanding.
"""

import jax, jax.numpy as jnp
import numpy as np

B, D, K = 16384, 128, 64


def _normal_logpdf(x, mu, sigma):
    return -0.5 * ((x - mu) / sigma) ** 2 - jnp.log(sigma) - 0.5 * jnp.log(2.0 * jnp.pi)


def _noise_encode(x, Wm, bm, Ws, bs):
    mean = x @ Wm + bm
    std = jax.nn.softplus(x @ Ws + bs) + 1e-4
    return mean, std


def setup_inputs(seed: int = 0) -> dict:
    key = jax.random.key(seed)
    ks = jax.random.split(key, 6)
    return {
        "x1": jax.random.normal(ks[0], (B, D), dtype=jnp.float32),
        "x2": jax.random.normal(ks[1], (B, D), dtype=jnp.float32),
        "W_mean": jax.random.normal(ks[2], (D, K), dtype=jnp.float32) * 0.05,
        "b_mean": jnp.zeros((K,), jnp.float32),
        "W_logstd": jax.random.normal(ks[3], (D, K), dtype=jnp.float32) * 0.05,
        "b_logstd": jnp.zeros((K,), jnp.float32),
        "W_int": jax.random.normal(ks[4], (K, K), dtype=jnp.float32) * 0.05,
        "b_int": jnp.zeros((K,), jnp.float32),
    }


def reference(x1, x2, W_mean, b_mean, W_logstd, b_logstd, W_int, b_int):
    # noise encoder on both views
    e1_mean, e1_std = _noise_encode(x1, W_mean, b_mean, W_logstd, b_logstd)
    e2_mean, e2_std = _noise_encode(x2, W_mean, b_mean, W_logstd, b_logstd)

    # intervention encoder -> categorical probs over latents
    logits = jnp.abs(e1_mean - e2_mean) @ W_int + b_int
    probs = jax.nn.softmax(logits, axis=-1)

    rk = jax.random.key(42)
    k1, k2, k3, k4, k5 = jax.random.split(rk, 5)

    # OneHotCategorical sample + log_prob
    idx = jax.random.categorical(k1, jnp.log(probs + 1e-12), axis=-1)
    intervention = jax.nn.one_hot(idx, K, dtype=probs.dtype)  # [B, K]
    log_q_I = jnp.sum(intervention * jnp.log(probs + 1e-12), axis=-1)  # [B]

    # stoch_avg over the non-intervened latents (complement mask)
    comp = 1.0 - intervention
    param_m = jax.random.uniform(k2, e1_mean.shape)
    param_s = jax.random.uniform(k3, e1_std.shape)
    avg_mean = param_m * e1_mean + (1.0 - param_m) * e2_mean
    avg_std = param_s * e1_std + (1.0 - param_s) * e2_std
    eps_mean = jnp.where(comp > 0.5, avg_mean, e1_mean)
    eps_std = jnp.where(comp > 0.5, avg_std, e1_std)

    # e1 ~ Normal(eps_mean, eps_std) (non-reparameterized sample, like .sample())
    n1 = jax.random.normal(k4, eps_mean.shape)
    e1 = jax.lax.stop_gradient(eps_mean + eps_std * n1)
    log_q_e1 = _normal_logpdf(e1, eps_mean, eps_std)

    # e2 equals e1 except intervened latents resampled from Normal(e2_mean, e2_std)
    n2 = jax.random.normal(k5, eps_mean.shape)
    e2_int = jax.lax.stop_gradient(e2_mean + e2_std * n2)
    e2 = jnp.where(intervention > 0.5, e2_int, e1)
    log_q_e2 = jnp.where(intervention > 0.5, _normal_logpdf(e2, e2_mean, e2_std), 0.0)

    log_q = log_q_e1 + log_q_e2 + log_q_I[:, None]
    return (e1, e2, intervention, log_q)

if __name__ == "__main__":
    import jax
    _d = setup_inputs()
    print(jax.jit(kernel)(*tuple(_d.values())))

</pallas_src>

<mosaic_0001>
module attributes {stable_mosaic.version = 14 : i64} {
  func.func @_ilcm_kernel(%arg0: i32, %arg1: memref<2048x128xf32, #tpu.memory_space<vmem>>, %arg2: memref<2048x128xf32, #tpu.memory_space<vmem>>, %arg3: memref<128x128xf32, #tpu.memory_space<vmem>>, %arg4: memref<8x64xf32, #tpu.memory_space<vmem>>, %arg5: memref<2048x1xi32, #tpu.memory_space<vmem>>, %arg6: memref<2048x1xf32, #tpu.memory_space<vmem>>, %arg7: memref<2048x128xf32, #tpu.memory_space<vmem>>, %arg8: memref<2048x128xf32, #tpu.memory_space<vmem>>, %arg9: memref<2048x64xf32, #tpu.memory_space<vmem>>, %arg10: memref<2048x64xf32, #tpu.memory_space<vmem>>, %arg11: memref<2048x64xf32, #tpu.memory_space<vmem>>, %arg12: memref<2048x64xf32, #tpu.memory_space<vmem>>) attributes {dimension_semantics = [#tpu.dimension_semantics<arbitrary>], iteration_bounds = array<i64: 8>, scalar_prefetch = 0 : i64, scratch_operands = 0 : i64, tpu.core_type = #tpu.core_type<tc>, window_params = [{transform_indices = @transform_0, window_bounds = array<i64: 2048, 128>}, {transform_indices = @transform_1, window_bounds = array<i64: 2048, 128>}, {pipeline_mode = #tpu.pipeline_mode<synchronous>, transform_indices = @transform_2, window_bounds = array<i64: 128, 128>}, {pipeline_mode = #tpu.pipeline_mode<synchronous>, transform_indices = @transform_3, window_bounds = array<i64: 8, 64>}, {transform_indices = @transform_4, window_bounds = array<i64: 2048, 1>}, {transform_indices = @transform_5, window_bounds = array<i64: 2048, 1>}, {transform_indices = @transform_6, window_bounds = array<i64: 2048, 128>}, {transform_indices = @transform_7, window_bounds = array<i64: 2048, 128>}, {transform_indices = @transform_8, window_bounds = array<i64: 2048, 64>}, {transform_indices = @transform_9, window_bounds = array<i64: 2048, 64>}, {transform_indices = @transform_10, window_bounds = array<i64: 2048, 64>}, {transform_indices = @transform_11, window_bounds = array<i64: 2048, 64>}]} {
    %get3A = arith.constant 0 : index
    %get3A_0 = arith.constant 0 : index
    %get3A_1 = vector.load %arg4[%get3A, %get3A_0] : memref<8x64xf32, #tpu.memory_space<vmem>>, vector<1x64xf32>
    %get3A_2 = arith.constant 1 : index
    %get3A_3 = arith.constant 0 : index
    %get3A_4 = vector.load %arg4[%get3A_2, %get3A_3] : memref<8x64xf32, #tpu.memory_space<vmem>>, vector<1x64xf32>
    %get3A_5 = arith.constant 0 : index
    %get3A_6 = arith.constant 0 : index
    %get3A_7 = vector.load %arg1[%get3A_5, %get3A_6] : memref<2048x128xf32, #tpu.memory_space<vmem>>, vector<2048x128xf32>
    %get3A_8 = arith.constant 0 : index
    %get3A_9 = arith.constant 0 : index
    %get3A_10 = vector.load %arg3[%get3A_8, %get3A_9] : memref<128x128xf32, #tpu.memory_space<vmem>>, vector<128x128xf32>
    %dot_general3A = arith.constant dense<0.000000e+00> : vector<2048x128xf32>
    %dot_general3A_11 = tpu.matmul %get3A_7, %get3A_10, %dot_general3A {dimension_numbers = #tpu.dot_dimension_numbers<[1], [0], [0], [1], [0, 0, 1, 1], [], []>, transpose_lhs_hint = false} : vector<2048x128xf32>, vector<128x128xf32>, vector<2048x128xf32> -> vector<2048x128xf32>
    %get3A_12 = arith.constant 0 : index
    %get3A_13 = arith.constant 0 : index
    %get3A_14 = vector.load %arg2[%get3A_12, %get3A_13] : memref<2048x128xf32, #tpu.memory_space<vmem>>, vector<2048x128xf32>
    %get3A_15 = arith.constant 0 : index
    %get3A_16 = arith.constant 0 : index
    %get3A_17 = vector.load %arg3[%get3A_15, %get3A_16] : memref<128x128xf32, #tpu.memory_space<vmem>>, vector<128x128xf32>
    %dot_general3A_18 = arith.constant dense<0.000000e+00> : vector<2048x128xf32>
    %dot_general3A_19 = tpu.matmul %get3A_14, %get3A_17, %dot_general3A_18 {dimension_numbers = #tpu.dot_dimension_numbers<[1], [0], [0], [1], [0, 0, 1, 1], [], []>, transpose_lhs_hint = false} : vector<2048x128xf32>, vector<128x128xf32>, vector<2048x128xf32> -> vector<2048x128xf32>
    %slice3A = vector.extract_strided_slice %dot_general3A_11 {offsets = [0, 0], sizes = [2048, 64], strides = [1, 1]} : vector<2048x128xf32> to vector<2048x64xf32>
    %add3A = vector.broadcast %get3A_1 : vector<1x64xf32> to vector<2048x64xf32>
    %add3A_20 = arith.addf %slice3A, %add3A : vector<2048x64xf32>
    %slice3A_21 = vector.extract_strided_slice %dot_general3A_11 {offsets = [0, 64], sizes = [2048, 64], strides = [1, 1]} : vector<2048x128xf32> to vector<2048x64xf32>
    %add3A_22 = vector.broadcast %get3A_4 : vector<1x64xf32> to vector<2048x64xf32>
    %add3A_23 = arith.addf %slice3A_21, %add3A_22 : vector<2048x64xf32>
    %max3A = arith.constant 0.000000e+00 : f32
    %max3A_24 = vector.broadcast %max3A : f32 to vector<2048x64xf32>
    %max3A_25 = arith.maximumf %add3A_23, %max3A_24 : vector<2048x64xf32>
    %abs3A = math.absf %add3A_23 : vector<2048x64xf32>
    %neg3A = arith.constant 0.000000e+00 : f32
    %neg3A_26 = vector.broadcast %neg3A : f32 to vector<2048x64xf32>
    %neg3A_27 = arith.subf %neg3A_26, %abs3A : vector<2048x64xf32>
    %exp3A = math.exp %neg3A_27 : vector<2048x64xf32>
    %log1p3A = math.log1p %exp3A : vector<2048x64xf32>
    %add3A_28 = arith.addf %max3A_25, %log1p3A : vector<2048x64xf32>
    %add3A_29 = arith.constant 9.99999974E-5 : f32
    %add3A_30 = vector.broadcast %add3A_29 : f32 to vector<2048x64xf32>
    %add3A_31 = arith.addf %add3A_28, %add3A_30 : vector<2048x64xf32>
    %slice3A_32 = vector.extract_strided_slice %dot_general3A_19 {offsets = [0, 0], sizes = [2048, 64], strides = [1, 1]} : vector<2048x128xf32> to vector<2048x64xf32>
    %add3A_33 = vector.broadcast %get3A_1 : vector<1x64xf32> to vector<2048x64xf32>
    %add3A_34 = arith.addf %slice3A_32, %add3A_33 : vector<2048x64xf32>
    %slice3A_35 = vector.extract_strided_slice %dot_general3A_19 {offsets = [0, 64], sizes = [2048, 64], strides = [1, 1]} : vector<2048x128xf32> to vector<2048x64xf32>
    %add3A_36 = vector.broadcast %get3A_4 : vector<1x64xf32> to vector<2048x64xf32>
    %add3A_37 = arith.addf %slice3A_35, %add3A_36 : vector<2048x64xf32>
    %max3A_38 = arith.constant 0.000000e+00 : f32
    %max3A_39 = vector.broadcast %max3A_38 : f32 to vector<2048x64xf32>
    %max3A_40 = arith.maximumf %add3A_37, %max3A_39 : vector<2048x64xf32>
    %abs3A_41 = math.absf %add3A_37 : vector<2048x64xf32>
    %neg3A_42 = arith.constant 0.000000e+00 : f32
    %neg3A_43 = vector.broadcast %neg3A_42 : f32 to vector<2048x64xf32>
    %neg3A_44 = arith.subf %neg3A_43, %abs3A_41 : vector<2048x64xf32>
    %exp3A_45 = math.exp %neg3A_44 : vector<2048x64xf32>
    %log1p3A_46 = math.log1p %exp3A_45 : vector<2048x64xf32>
    %add3A_47 = arith.addf %max3A_40, %log1p3A_46 : vector<2048x64xf32>
    %add3A_48 = arith.constant 9.99999974E-5 : f32
    %add3A_49 = vector.broadcast %add3A_48 : f32 to vector<2048x64xf32>
    %add3A_50 = arith.addf %add3A_47, %add3A_49 : vector<2048x64xf32>
    %get3A_51 = arith.constant 0 : index
    %get3A_52 = arith.constant 0 : index
    %get3A_53 = vector.load %arg5[%get3A_51, %get3A_52] : memref<2048x1xi32, #tpu.memory_space<vmem>>, vector<2048x1xi32>
    %get3A_54 = arith.constant 0 : index
    %get3A_55 = arith.constant 0 : index
    %get3A_56 = vector.load %arg6[%get3A_54, %get3A_55] : memref<2048x1xf32, #tpu.memory_space<vmem>>, vector<2048x1xf32>
    %iota3A = tpu.iota {dimensions = array<i32: 1>} : vector<2048x64xi32>
    %eq3A = vector.broadcast %get3A_53 : vector<2048x1xi32> to vector<2048x64xi32>
    %eq3A_57 = arith.cmpi eq, %iota3A, %eq3A : vector<2048x64xi32>
    %convert_element_type3A = arith.extui %eq3A_57 : vector<2048x64xi1> to vector<2048x64xi32>
    %convert_element_type3A_58 = arith.sitofp %convert_element_type3A : vector<2048x64xi32> to vector<2048x64xf32>
    %get3A_59 = arith.constant 0 : index
    %get3A_60 = arith.constant 0 : index
    %get3A_61 = vector.load %arg7[%get3A_59, %get3A_60] : memref<2048x128xf32, #tpu.memory_space<vmem>>, vector<2048x128xf32>
    %get3A_62 = arith.constant 0 : index
    %get3A_63 = arith.constant 0 : index
    %get3A_64 = vector.load %arg8[%get3A_62, %get3A_63] : memref<2048x128xf32, #tpu.memory_space<vmem>>, vector<2048x128xf32>
    %slice3A_65 = vector.extract_strided_slice %get3A_61 {offsets = [0, 0], sizes = [2048, 64], strides = [1, 1]} : vector<2048x128xf32> to vector<2048x64xf32>
    %slice3A_66 = vector.extract_strided_slice %get3A_61 {offsets = [0, 64], sizes = [2048, 64], strides = [1, 1]} : vector<2048x128xf32> to vector<2048x64xf32>
    %slice3A_67 = vector.extract_strided_slice %get3A_64 {offsets = [0, 0], sizes = [2048, 64], strides = [1, 1]} : vector<2048x128xf32> to vector<2048x64xf32>
    %slice3A_68 = vector.extract_strided_slice %get3A_64 {offsets = [0, 64], sizes = [2048, 64], strides = [1, 1]} : vector<2048x128xf32> to vector<2048x64xf32>
    %mul3A = arith.mulf %slice3A_65, %add3A_20 : vector<2048x64xf32>
    %sub3A = arith.constant 1.000000e+00 : f32
    %sub3A_69 = vector.broadcast %sub3A : f32 to vector<2048x64xf32>
    %sub3A_70 = arith.subf %sub3A_69, %slice3A_65 : vector<2048x64xf32>
    %mul3A_71 = arith.mulf %sub3A_70, %add3A_34 : vector<2048x64xf32>
    %add3A_72 = arith.addf %mul3A, %mul3A_71 : vector<2048x64xf32>
    %mul3A_73 = arith.mulf %slice3A_66, %add3A_31 : vector<2048x64xf32>
    %sub3A_74 = arith.constant 1.000000e+00 : f32
    %sub3A_75 = vector.broadcast %sub3A_74 : f32 to vector<2048x64xf32>
    %sub3A_76 = arith.subf %sub3A_75, %slice3A_66 : vector<2048x64xf32>
    %mul3A_77 = arith.mulf %sub3A_76, %add3A_50 : vector<2048x64xf32>
    %add3A_78 = arith.addf %mul3A_73, %mul3A_77 : vector<2048x64xf32>
    %select_n3A = arith.select %eq3A_57, %add3A_20, %add3A_72 : vector<2048x64xi1>, vector<2048x64xf32>
    %select_n3A_79 = arith.select %eq3A_57, %add3A_31, %add3A_78 : vector<2048x64xi1>, vector<2048x64xf32>
    %mul3A_80 = arith.mulf %select_n3A_79, %slice3A_67 : vector<2048x64xf32>
    %add3A_81 = arith.addf %select_n3A, %mul3A_80 : vector<2048x64xf32>
    %sub3A_82 = arith.subf %add3A_81, %select_n3A : vector<2048x64xf32>
    %div3A = arith.divf %sub3A_82, %select_n3A_79 : vector<2048x64xf32>
    %integer_pow3A = arith.mulf %div3A, %div3A : vector<2048x64xf32>
    %mul3A_83 = arith.constant -5.000000e-01 : f32
    %mul3A_84 = vector.broadcast %mul3A_83 : f32 to vector<2048x64xf32>
    %mul3A_85 = arith.mulf %mul3A_84, %integer_pow3A : vector<2048x64xf32>
    %log3A = math.log %select_n3A_79 : vector<2048x64xf32>
    %sub3A_86 = arith.subf %mul3A_85, %log3A : vector<2048x64xf32>
    %log3A_87 = arith.constant 6.28318548 : f32
    %log3A_88 = math.log %log3A_87 : f32
    %mul3A_89 = arith.constant 5.000000e-01 : f32
    %mul3A_90 = arith.mulf %mul3A_89, %log3A_88 : f32
    %sub3A_91 = vector.broadcast %mul3A_90 : f32 to vector<2048x64xf32>
    %sub3A_92 = arith.subf %sub3A_86, %sub3A_91 : vector<2048x64xf32>
    %mul3A_93 = arith.mulf %add3A_50, %slice3A_68 : vector<2048x64xf32>
    %add3A_94 = arith.addf %add3A_34, %mul3A_93 : vector<2048x64xf32>
    %select_n3A_95 = arith.select %eq3A_57, %add3A_94, %add3A_81 : vector<2048x64xi1>, vector<2048x64xf32>
    %sub3A_96 = arith.subf %select_n3A_95, %add3A_34 : vector<2048x64xf32>
    %div3A_97 = arith.divf %sub3A_96, %add3A_50 : vector<2048x64xf32>
    %integer_pow3A_98 = arith.mulf %div3A_97, %div3A_97 : vector<2048x64xf32>
    %mul3A_99 = arith.constant -5.000000e-01 : f32
    %mul3A_100 = vector.broadcast %mul3A_99 : f32 to vector<2048x64xf32>
    %mul3A_101 = arith.mulf %mul3A_100, %integer_pow3A_98 : vector<2048x64xf32>
    %log3A_102 = math.log %add3A_50 : vector<2048x64xf32>
    %sub3A_103 = arith.subf %mul3A_101, %log3A_102 : vector<2048x64xf32>
    %log3A_104 = arith.constant 6.28318548 : f32
    %log3A_105 = math.log %log3A_104 : f32
    %mul3A_106 = arith.constant 5.000000e-01 : f32
    %mul3A_107 = arith.mulf %mul3A_106, %log3A_105 : f32
    %sub3A_108 = vector.broadcast %mul3A_107 : f32 to vector<2048x64xf32>
    %sub3A_109 = arith.subf %sub3A_103, %sub3A_108 : vector<2048x64xf32>
    %jit3A = arith.constant 0.000000e+00 : f32
    %broadcast_in_dim3A = vector.broadcast %jit3A : f32 to vector<2048x64xf32>
    %select_n3A_110 = arith.select %eq3A_57, %sub3A_109, %broadcast_in_dim3A : vector<2048x64xi1>, vector<2048x64xf32>
    %swap3A = arith.constant 0 : index
    %swap3A_111 = arith.constant 0 : index
    %swap3A_112 = vector.load %arg9[%swap3A, %swap3A_111] : memref<2048x64xf32, #tpu.memory_space<vmem>>, vector<2048x64xf32>
    tpu.vector_store %arg9[%swap3A, %swap3A_111], %add3A_81 {strides = array<i32>} : memref<2048x64xf32, #tpu.memory_space<vmem>>, vector<2048x64xf32>,
    %swap3A_113 = arith.constant 0 : index
    %swap3A_114 = arith.constant 0 : index
    %swap3A_115 = vector.load %arg10[%swap3A_113, %swap3A_114] : memref<2048x64xf32, #tpu.memory_space<vmem>>, vector<2048x64xf32>
    tpu.vector_store %arg10[%swap3A_113, %swap3A_114], %select_n3A_95 {strides = array<i32>} : memref<2048x64xf32, #tpu.memory_space<vmem>>, vector<2048x64xf32>,
    %swap3A_116 = arith.constant 0 : index
    %swap3A_117 = arith.constant 0 : index
    %swap3A_118 = vector.load %arg11[%swap3A_116, %swap3A_117] : memref<2048x64xf32, #tpu.memory_space<vmem>>, vector<2048x64xf32>
    tpu.vector_store %arg11[%swap3A_116, %swap3A_117], %convert_element_type3A_58 {strides = array<i32>} : memref<2048x64xf32, #tpu.memory_space<vmem>>, vector<2048x64xf32>,
    %add3A_119 = arith.addf %sub3A_92, %select_n3A_110 : vector<2048x64xf32>
    %add3A_120 = vector.broadcast %get3A_56 : vector<2048x1xf32> to vector<2048x64xf32>
    %add3A_121 = arith.addf %add3A_119, %add3A_120 : vector<2048x64xf32>
    %swap3A_122 = arith.constant 0 : index
    %swap3A_123 = arith.constant 0 : index
    %swap3A_124 = vector.load %arg12[%swap3A_122, %swap3A_123] : memref<2048x64xf32, #tpu.memory_space<vmem>>, vector<2048x64xf32>
    tpu.vector_store %arg12[%swap3A_122, %swap3A_123], %add3A_121 {strides = array<i32>} : memref<2048x64xf32, #tpu.memory_space<vmem>>, vector<2048x64xf32>,
    return
  }
  func.func @transform_0(%arg0: i32) -> (i32, i32) {
    %c0_i32 = arith.constant 0 : i32
    %c0_i32_0 = arith.constant 0 : i32
    return %arg0, %c0_i32 : i32, i32
  }
  func.func @transform_1(%arg0: i32) -> (i32, i32) {
    %c0_i32 = arith.constant 0 : i32
    %c0_i32_0 = arith.constant 0 : i32
    return %arg0, %c0_i32 : i32, i32
  }
  func.func @transform_2(%arg0: i32) -> (i32, i32) {
    %c0_i32 = arith.constant 0 : i32
    %c0_i32_0 = arith.constant 0 : i32
    %c0_i32_1 = arith.constant 0 : i32
    return %c0_i32, %c0_i32_0 : i32, i32
  }
  func.func @transform_3(%arg0: i32) -> (i32, i32) {
    %c0_i32 = arith.constant 0 : i32
    %c0_i32_0 = arith.constant 0 : i32
    %c0_i32_1 = arith.constant 0 : i32
    return %c0_i32, %c0_i32_0 : i32, i32
  }
  func.func @transform_4(%arg0: i32) -> (i32, i32) {
    %c0_i32 = arith.constant 0 : i32
    %c0_i32_0 = arith.constant 0 : i32
    return %arg0, %c0_i32 : i32, i32
  }
  func.func @transform_5(%arg0: i32) -> (i32, i32) {
    %c0_i32 = arith.constant 0 : i32
    %c0_i32_0 = arith.constant 0 : i32
    return %arg0, %c0_i32 : i32, i32
  }
  func.func @transform_6(%arg0: i32) -> (i32, i32) {
    %c0_i32 = arith.constant 0 : i32
    %c0_i32_0 = arith.constant 0 : i32
    return %arg0, %c0_i32 : i32, i32
  }
  func.func @transform_7(%arg0: i32) -> (i32, i32) {
    %c0_i32 = arith.constant 0 : i32
    %c0_i32_0 = arith.constant 0 : i32
    return %arg0, %c0_i32 : i32, i32
  }
  func.func @transform_8(%arg0: i32) -> (i32, i32) {
    %c0_i32 = arith.constant 0 : i32
    %c0_i32_0 = arith.constant 0 : i32
    return %arg0, %c0_i32 : i32, i32
  }
  func.func @transform_9(%arg0: i32) -> (i32, i32) {
    %c0_i32 = arith.constant 0 : i32
    %c0_i32_0 = arith.constant 0 : i32
    return %arg0, %c0_i32 : i32, i32
  }
  func.func @transform_10(%arg0: i32) -> (i32, i32) {
    %c0_i32 = arith.constant 0 : i32
    %c0_i32_0 = arith.constant 0 : i32
    return %arg0, %c0_i32 : i32, i32
  }
  func.func @transform_11(%arg0: i32) -> (i32, i32) {
    %c0_i32 = arith.constant 0 : i32
    %c0_i32_0 = arith.constant 0 : i32
    return %arg0, %c0_i32 : i32, i32
  }
}

</mosaic_0001>

<sc_bundles>
// kernel: gather_offload_async_start
scs
__scs_entry_jumppad:
0x0: {  	(pc) =	sbr.rel $0x88, $3  }
0x1: {  	(tag) =	ssettag $0x0;
	lr =	simm.s32 $0x1  }
0x2: {  	[smem:$0x3F99] =	sst lr;
	_ =	strace $0xD0000000  }
0x3: {  	_ = 	snop  }
0x4: {  	_ = 	snop  }
0x5: {  	_ = 	snop  }
0x6: {  	_ = 	snop  }
0x7: {  	_ = 	snop  }
__scs_overlays_trampoline_lowered:
0x8: {  	[smem:$0x3FA8] =	sst s0  }
0x9: {  	[smem:$0x3FA9] =	sst s1  }
0xa: {  	[smem:$0x3FAA] =	sst s2  }
0xb: {  	[smem:$0x3FAB] =	sst s3  }
0xc: {  	[smem:$0x3FAC] =	sst s4  }
0xd: {  	[smem:$0x3FAD] =	sst s5  }
0xe: {  	[smem:$0x3FAE] =	sst s6  }
0xf: {  	[smem:$0x3FAF] =	sst s7  }
0x10: {  	[smem:$0x3FB0] =	sst s8  }
0x11: {  	[smem:$0x3FB1] =	sst s9;
	s0 =	simm.s32 @!p0 $0x0  }
0x12: {  	s1 =	sld [smem:$0x3F97];
	s0 =	simm.s32 @p0 $0x1  }
0x13: {  	[smem:$0x3FB2] =	sst s0;
	s0 =	simm.s32 @!p1 $0x0  }
0x14: {  	s2 =	sld [smem:$0x3F96];
	s0 =	simm.s32 @p1 $0x1  }
0x15: {  	[smem:$0x3FB3] =	sst s0;
	s0 =	simm.s32 @!p2 $0x0  }
0x16: {  	s3 =	sld [smem:$0x3FDB];
	s0 =	simm.s32 @p2 $0x1  }
0x17: {  	s4 =	simm.s32 $0x1BF5;
	[smem:$0x3FB5] =	sst s0  }
0x18: {  	s0 =	sld [smem:$0x3F98];
	_ =	swait.ge [sflag:s4], $0x0  }
0x19: {  	s7 =	sld [smem:$0x3F99]  }
0x1a: {  	s8 =	sadd.s32 $0xFFFFE003, lr  }
0x1b: {  	s9 =	sadd.s32 $0xFFFFFEF7, lr;
	s5 =	simm.s32 $0xFFFFFFFF;
	p2 =	slt.u32 s8, $0xFFFFF086  }
0x1c: {  	p1 =	slt.u32 s9, $0xF7A;
	s5 =	simm.s32 @!p2 $0x0  }
0x1d: {  	s5 =	simm.s32 @p1 $0x1;
	p0 =	seq.s32 s7, s2  }
0x1e: {  	s7 =	smul.u32 @!p0 $0xF7A, s2;
	p2 =	seq.s32 @!p0 s5, $0x0  }
0x1f: {  	s9 =	smul.u32 $0xF7A, s1;
	s8 =	simm.s32 @!p0 $0x1BF5;
	p2 =	por !p2, p0  }
0x20: {  	[sflag:s8] =	ssyncset.s32 @!p0 $0xFFFFF086;
	s6 =	sadd.s32 @!p0 s3, s7;
	s7 =	simm.s32 @!p0 $0x108  }
0x21: {  	s3 =	sadd.s32 s3, s9;
	s6 =	sadd.s32 @!p0 $0x88, s6;
	s7 =	simm.s32 @p2 $0x1082  }
0x22: {  	[simem:s7], [sflag:s8] =	dma.local @!p0 [hbm:s6], $0xF7A  }
0x23: {  	s9 =	sor.u32 $0xD0000000, s2;
	s6 =	simm.s32 $0x108;
	_ =	swait.ge @!p0 [sflag:s8], $0x0  }
0x24: {  	s3 =	sadd.s32 $0x88, s3;
	s6 =	simm.s32 @!p1 $0x1082;
	[sflag:s4] =	ssyncset.s32 $0xFFFFF086  }
0x25: {  	[simem:s6], [sflag:s4] =	dma.local [hbm:s3], $0xF7A  }
0x26: {  	[smem:$0x3F99] =	sst s1;
	(tag) =	ssettag s2;
	_ =	strace s9  }
0x27: {  	s1 =	sld [smem:$0x3FA9]  }
0x28: {  	s2 =	sld [smem:$0x3FAA]  }
0x29: {  	s4 =	sld [smem:$0x3FAC]  }
0x2a: {  	p0 =	seq.s32 s5, $0x0;
	s5 =	sld [smem:$0x3FAD]  }
0x2b: {  	s6 =	sld [smem:$0x3FAE]  }
0x2c: {  	s7 =	sld [smem:$0x3FAF]  }
0x2d: {  	s3 =	simm.s32 $0x108;
	s8 =	sld [smem:$0x3FB0]  }
0x2e: {  	s3 =	simm.s32 @!p0 $0x1082;
	s9 =	sld [smem:$0x3FB1]  }
0x2f: {  	lr =	sadd.s32 s0, s3;
	s0 =	sld [smem:$0x3FA8]  }
0x30: {  	s3 =	sld [smem:$0x3FAB]  }
0x31: {  	[smem:$0x3FB4] =	sst s10  }
0x32: {  	s10 =	sld [smem:$0x3FB2];
	_ =	sdelay $0x3  }
0x33: {  	p0 =	seq.s32 s10, $0x1;
	s10 =	sld [smem:$0x3FB4];
	_ =	sdelay $0x3  }
0x34: {  	[smem:$0x3FB4] =	sst s10  }
0x35: {  	s10 =	sld [smem:$0x3FB3];
	_ =	sdelay $0x3  }
0x36: {  	p1 =	seq.s32 s10, $0x1;
	s10 =	sld [smem:$0x3FB4];
	_ =	sdelay $0x3  }
0x37: {  	[smem:$0x3FB4] =	sst s10  }
0x38: {  	s10 =	sld [smem:$0x3FB5]  }
0x39: {  	_ = 	snop;
	(pc) =	sbr.ind lr, $3  }
0x3a: {  	_ = 	snop  }
0x3b: {  	_ = 	snop  }
0x3c: {  	p2 =	seq.s32 s10, $0x1;
	s10 =	sld [smem:$0x3FB4]  }
0x3d: {  	_ =	shalt  }
0x3e: {  	_ =	shalt  }
0x3f: {  	_ =	shalt  }
0x40: {  	_ =	shalt  }
0x41: {  	_ =	shalt  }
0x42: {  	_ =	shalt  }
0x43: {  	_ =	shalt  }
0x44: {  	_ =	shalt  }
0x45: {  	_ =	shalt  }
0x46: {  	_ =	shalt  }
0x47: {  	_ =	shalt  }
0x48: {  	_ =	shalt  }
0x49: {  	_ =	shalt  }
0x4a: {  	_ =	shalt  }
0x4b: {  	_ =	shalt  }
0x4c: {  	_ =	shalt  }
0x4d: {  	_ =	shalt  }
0x4e: {  	_ =	shalt  }
0x4f: {  	_ =	shalt  }
0x50: {  	_ =	shalt  }
0x51: {  	_ =	shalt  }
0x52: {  	_ =	shalt  }
0x53: {  	_ =	shalt  }
0x54: {  	_ =	shalt  }
0x55: {  	_ =	shalt  }
0x56: {  	_ =	shalt  }
0x57: {  	_ =	shalt  }
0x58: {  	_ =	shalt  }
0x59: {  	_ =	shalt  }
0x5a: {  	_ =	shalt  }
0x5b: {  	_ =	shalt  }
0x5c: {  	_ =	shalt  }
0x5d: {  	_ =	shalt  }
0x5e: {  	_ =	shalt  }
0x5f: {  	_ =	shalt  }
0x60: {  	_ =	shalt  }
0x61: {  	_ =	shalt  }
0x62: {  	_ =	shalt  }
0x63: {  	_ =	shalt  }
0x64: {  	_ =	shalt  }
0x65: {  	_ =	shalt  }
0x66: {  	_ =	shalt  }
0x67: {  	_ =	shalt  }
0x68: {  	_ =	shalt  }
0x69: {  	_ =	shalt  }
0x6a: {  	_ =	shalt  }
0x6b: {  	_ =	shalt  }
0x6c: {  	_ =	shalt  }
0x6d: {  	_ =	shalt  }
0x6e: {  	_ =	shalt  }
0x6f: {  	_ =	shalt  }
0x70: {  	_ =	shalt  }
0x71: {  	_ =	shalt  }
0x72: {  	_ =	shalt  }
0x73: {  	_ =	shalt  }
0x74: {  	_ =	shalt  }
0x75: {  	_ =	shalt  }
0x76: {  	_ =	shalt  }
0x77: {  	_ =	shalt  }
0x78: {  	_ =	shalt  }
0x79: {  	_ =	shalt  }
0x7a: {  	_ =	shalt  }
0x7b: {  	_ =	shalt  }
0x7c: {  	_ =	shalt  }
0x7d: {  	_ =	shalt  }
0x7e: {  	_ =	shalt  }
0x7f: {  	_ =	shalt  }
0x80: {  	_ =	shalt  }
0x81: {  	_ =	shalt  }
0x82: {  	_ =	shalt  }
0x83: {  	_ =	shalt  }
0x84: {  	_ =	shalt  }
0x85: {  	_ =	shalt  }
0x86: {  	_ =	shalt  }
0x87: {  	_ =	shalt  }
.Lfunc_end0:
.L_simem_size_0:
called_computation_lowered:
.L_overlay_start_0:
0x88: {  	s2 =	sld [smem:$0x3FD9]  }
0x89: {  	s3 =	sld [smem:$0x3FFE];
	_ =	sdelay $0x1  }
0x8a: {  	s1 =	srdreg.scid  }
0x8b: {  	s0 =	sand.u32 $0x1, s1  }
0x8c: {  	s15 =	sshll.u32 s0, $0xA;
	s2 =	sadd.s32 s3, s2  }
0x8d: {  	s2 =	sadd.s32 s2, s15  }
0x8e: {  	[smem:$0x3FC0] =	sst s2  }
0x8f: {  	_ = 	snop  }
0x90: {  	s2 =	sld [smem:$0x3FD0];
	_ =	sdelay $0x2  }
0x91: {  	s16 =	simm.s32 $0xA;
	s4 =	simm.s32 $0x10  }
0x92: {  	[smem:s4], [sflag:s16] =	dma.local [hbm:s2], $0x1  }
0x93: {  	_ =	swait.eq [sflag:s16], $0x1  }
0x94: {  	s17 =	sld [smem:$0x11];
	[sflag:s16] =	ssyncset.done $0x0  }
0x95: {  	s18 =	sld [smem:$0x12];
	[sflag:s16] =	ssyncadd.s32 $0xFFFFFFFF  }
0x96: {  	s19 =	sld [smem:$0x13];
	(tm) =	ssettm $0x1  }
0x97: {  	s5 =	sld [smem:$0x3FFB];
	_ =	sdelay $0x3  }
0x98: {  	_ =	strace s5  }
0x99: {  	s5 =	sld [smem:$0x3FFC];
	_ =	sdelay $0x3  }
0x9a: {  	_ =	strace s5  }
0x9b: {  	s5 =	sld [smem:$0x3FFD];
	_ =	sdelay $0x3  }
0x9c: {  	_ =	strace s5  }
0x9d: {  	_ =	strace $0x8FFFFFFF  }
0x9e: {  	s20 =	sld [smem:$0x3FDB];
	_ =	sdelay $0x1  }
0x9f: {  	s6 =	simm.s32 $_scs_section_size  }
0xa0: {  	s7 =	simm.s32 $_size__tile_overlayer_lowered;
	s8 =	simm.s32 $_tile_overlayer_lowered  }
0xa1: {  	s23 =	simm.s32 $0x1BFF;
	s22 =	sshll.u32 s8, $0x1;
	s5 =	sadd.s32 s6, s20  }
0xa2: {  	s9 =	simm.s32 $0x0;
	s21 =	sshll.u32 s7, $0x1;
	s7 =	sadd.s32 s22, s5  }
0xa3: {  	[timem:s9], [sflag:s23] =	dma.local [hbm:s7], s21  }
0xa4: {  	_ =	swait.ge [sflag:s23], s21  }
0xa5: {  	s6 =	ssub.s32 $0x0, s21;
	[sflag:s23] =	ssyncset.done $0x0  }
0xa6: {  	[sflag:s23] =	ssyncadd.s32 s6;
	_ =	sdelay $0x1  }
0xa7: {  	s24 =	simm.s32 $0x1B8B  }
0xa8: {  	_ =	swait.ge [sflag:s24], $0x1  }
0xa9: {  	[sflag:s24] =	ssyncset.done $0x0  }
0xaa: {  	s25 =	simm.s32 $0x1B8E;
	[sflag:s24] =	ssyncadd.s32 $0xFFFFFFFF  }
0xab: {  	s26 =	simm.s32 $execute0_lowered;
	[smem:$0x3FD2] =	sst s25  }
0xac: {  	s6 =	sshll.u32 s26, $0x1;
	_ =	strace $0x80000046;
	[dreg:$0x1] =	wrdreg $0xFFFFFFFF  }
0xad: {  	s28 =	simm.s32 $_size_execute0_lowered;
	s5 =	sadd.s32 s5, s6;
	[dreg:$0x0] =	wrdreg $0x0  }
0xae: {  	s6 =	sshll.u32 s28, $0x1;
	[dreg:$0x2] =	wrdreg s5  }
0xaf: {  	[dreg:$0x3] =	wrdreg s6  }
0xb0: {  	[dreg:$0x4] =	wrdreg $0xC0  }
0xb1: {  	_ =	task [dreg:s9], $0x5FFFF  }
0xb2: {  	[dreg:$0x1] =	wrdreg $0xFFFFFFFF  }
0xb3: {  	[dreg:$0x0] =	wrdreg $0x60  }
0xb4: {  	[dreg:$0x2] =	wrdreg s19  }
0xb5: {  	[dreg:$0x3] =	wrdreg s18  }
0xb6: {  	[dreg:$0x4] =	wrdreg s17  }
0xb7: {  	[dreg:$0x5] =	wrdreg $0x9  }
0xb8: {  	_ =	task.clear_ibuf [dreg:s9], $0x6FFFF;
	_ =	strace $0x90000046  }
0xb9: {  	s29 =	simm.s32 $0x9;
	_ =	strace $0x80000048  }
0xba: {  	_ =	swait.ge [sflag:s29], $0x1  }
0xbb: {  	[sflag:s29] =	ssyncadd.s32 $0xFFFFFFFF  }
0xbc: {  	_ =	strace $0x90000048  }
0xbd: {  	_ =	sfence  }
0xbe: {  	s30 =	sld [smem:$0x0];
	_ =	sdelay $0x2  }
0xbf: {  	s31 =	sshll.u32 s1, $0xD;
	s1 =	sshrl.u32 s1, $0x2  }
0xc0: {  	s3 =	sand.u32 $0x4000, s31;
	s1 =	sadd.s32 s1, s30  }
0xc1: {  	s0 =	sor.u32 s3, s0;
	s1 =	sshll.u32 s1, $0x11  }
0xc2: {  	s0 =	sor.u32 s1, s0  }
0xc3: {  	s0 =	sadd.s32 $0x8F2B, s0  }
0xc4: {  	[sflag:s0] =	ssyncadd.remote.s32 $0x1  }
0xc5: {  	_ =	sfence.sel $0xFFFF  }
0xc6: {  	[dreg:$0x0] =	wrdreg $0xFFFFFFFF;
	(pc) =	sbr.abs _section_cstart, $3  }
0xc7: {  	[dreg:$0x1] =	wrdreg $0xFFFFFFFF  }
0xc8: {  	_ =	task.clear_ibuf [dreg:s9], $0x2FFFF;
	_ =	strace $0x9FFFFFFF  }
0xc9: {  	(tm) =	ssettm $0x7FFFFFFF  }
tec
execute0_lowered:
.L_overlay_start_1:
0x0: {  	(tag) =	ssettag $0x1  }
0x1: {  	s1 =	srdreg.scid;
	s2 =	rddreg [dreg:$0x0]  }
0x2: {  	s0 =	stileid.u32;
	s3 =	rddreg [dreg:$0x1]  }
0x3: {  	s4 =	rddreg [dreg:$0x2];
	s6 =	simm.s32 $0x1;
	s1 =	sshll.u32 s1, $0x8  }
0x4: {  	s9 =	simm.s32 $0x1;
	s5 =	sshll.u32 s0, $0x9;
	s1 =	sand.u32 $0x100, s1  }
0x5: {  	s10 =	simm.s32 $0x3;
	s13 =	simm.s32 $0x0;
	s5 =	sor.u32 s5, s1  }
0x6: {  	s12 =	simm.s32 $0x0;
	s1 =	rddreg [dreg:$0x3];
	s8 =	ssub.s32 $0x4000, s5  }
.Ltmp0:
0x7: {  	_ =	strace $0x80000047;
	s7 =	sand.u32 $0x1F00, s8;
	(pc) =	sbr.rel .LBB2_1-.Ltmp0, $4  }
0x8: {  	[sflag:s6] =	ssyncpa.u1 $0x0;
	s11 =	smov.u32 s5;
	p0 =	sne.s32 s7, $0x0  }
0x9: {  	s8 =	sshrl.u32 s8, $0xD;
	s7 =	simm.s32 $0x2;
	s9 =	simm.s32 @!p0 $0x0  }
0xa: {  	[sflag:s7] =	ssyncpa.u1 $0x0;
	p0 =	por $0x0, $0x0;
	s8 =	sadd.s32 s9, s8  }
0xb: {  	vm0 =	vmmov $0xffff;
	[sflag:s10] =	ssyncpa.u1 $0x0;
	s10 =	simm.s32 $0x0;
	s9 =	sadd.s32 $0x1, s8  }
.LBB2_4:
0xc: {  	vm1 =	veq.s32 v0, $0x80000000;
	v63 =	vand.u32 $0x3FFF, v0;
	v2 =	vand.u32 $0x3F, v2  }
0xd: {  	v0 =	vsel vm1, $0xFFFFFFFF, v63;
	v2 =	vsel vm1, $0xFFFFFFFF, v2  }
0xe: {  	v3 =	vshll.u32 v2, $0xE;
	v4 =	vshll.u32 v0, $0x3  }
0xf: {  	v2 =	vshll.u32 v2, $0x7;
	v3 =	vand.u32 $0xFFFE0000, v3;
	v4 =	vand.u32 $0xFFFFFC00, v4  }
0x10: {  	v2 =	vand.u32 $0x380, v2;
	v3 =	vadd.s32 v4, v3  }
0x11: {  	v0 =	vand.u32 $0x7F, v0;
	v2 =	vor.u32 v2, v3  }
0x12: {  	v0 =	vor.u32 v0, v2;
	_ =	sdelay $0x1  }
0x13: {  	(ifvalue) =	ssetifvalue $0x7FFFFFFF;
	s14 =	sadd.s32 $0x10, s14  }
0x14: {  	[tilespmem:s14], [sflag:$0x1] =	stream.indirect_vreg.gather [hbm4b:s2+s10], $0x1, v1, vm0, $0x4038;
	[tilespmem:$0x400] =	vst v63  }
0x15: {  	(ifvalue) =	ssetifvalue $0x7FFFFFFF;
	s14 =	sadd.s32 $0x10, s14  }
0x16: {  	[tilespmem:s14], [sflag:$0x1] =	stream.indirect_vreg.gather [hbm4b:s2+s10], $0x1, v0, vm0, $0x4038;
	[tilespmem:$0x400] =	vst v63  }
0x17: {  	_ =	swait.ge [sflag:s6], $0x100  }
0x18: {  	s30 =	sshrl.u32 s13, $0x3;
	[sflag:s6] =	ssyncset.done $0x0  }
0x19: {  	s31 =	sand.u32 $0x7, s13;
	s14 =	sadd.s32 s4, s30;
	[sflag:s6] =	ssyncadd.s32 $0xFFFFFF00  }
0x1a: {  	[hbm4b:s14+s31] =	stream.linear.scatter [tilespmem:s15], [sflag:$0x3], $0x100, $0x38;
	[tilespmem:$0x400] =	vst v63  }
.LBB2_5:
0x1b: {  	s15 =	sadd.s32 $0x2000, s11  }
0x1c: {  	p2 =	sgt.s32 s15, $0x3FFF  }
0x1d: {  	s15 =	smov.u32 @p2 s5;
	p2 =	sne.s32 s12, s9  }
.Ltmp1:
0x1e: {  	p1 =	slt.u32 s12, $0x2;
	(pc) =	sbr.rel @!p2 .LBB2_6-.Ltmp1, $4  }
0x1f: {  	s14 =	simm.s32 @!p1 $0x3  }
0x20: {  	s16 =	sadd.s32 $0x1, s12;
	_ =	swait.ge @!p1 [sflag:s14], $0x100  }
0x21: {  	s13 =	smov.u32 s11;
	p0 =	por !p0, !p0;
	[sflag:s14] =	ssyncset.done @!p1 $0x0  }
0x22: {  	s12 =	smov.u32 s16;
	s11 =	smov.u32 s15;
	[sflag:s14] =	ssyncadd.s32 @!p1 $0xFFFFFF00  }
.LBB2_1:
0x23: {  	p1 =	sge.u32 s12, s8  }
0x24: {  	s14 =	sxor.u32 @!p1 $0xFFFFFFFF, s12  }
0x25: {  	s31 =	sadd.s32 $0xFFFFFFFF, s12;
	s15 =	sshrl.u32 @!p1 s11, $0x3;
	s14 =	sshll.u32 @!p1 s14, $0x8  }
0x26: {  	s16 =	sand.u32 @!p1 $0x7, s11;
	s15 =	sadd.s32 @!p1 s3, s15;
	s14 =	sand.u32 @!p1 $0x100, s14  }
0x27: {  	[tilespmem:s14], [sflag:$0x2] =	stream.linear.gather @!p1 [hbm4b:s15+s16], $0x100, $0x38;
	[tilespmem:$0x400] =	vst v63  }
0x28: {  	p1 =	sge.u32 s31, s8  }
.Ltmp2:
0x29: {  	_ = 	snop;
	(pc) =	sbr.rel @p1 .LBB2_5-.Ltmp2, $1  }
0x2a: {  	_ =	sdelay $0x3  }
0x2b: {  	s14 =	simm.s32 $0x1  }
0x2c: {  	_ =	swait.ge [sflag:s7], $0x100;
	s14 =	simm.s32 @!p0 $0x0  }
0x2d: {  	[sflag:s7] =	ssyncset.done $0x0;
	s14 =	sshll.u32 s14, $0x8  }
0x2e: {  	[sflag:s7] =	ssyncadd.s32 $0xFFFFFF00;
	(ifvalue) =	ssetifvalue $0x7FFFFFFF;
	v0 =	vld.msk [tilespmem:s14+$0x0 ss:$0x1], $0xffff;
	_ =	sdelay $0x4  }
0x2f: {  	s15 =	sadd.s32 $0x10, s14;
	v1 =	vshrl.u32 v0, $0xE  }
0x30: {  	v2 =	vld.msk [tilespmem:s15+$0x0 ss:$0x1], $0xffff;
	vm1 =	veq.s32 v0, $0x80000000;
	v0 =	vand.u32 $0x3FFF, v0;
	v1 =	vand.u32 $0x3F, v1  }
0x31: {  	v0 =	vsel vm1, $0xFFFFFFFF, v0;
	v1 =	vsel vm1, $0xFFFFFFFF, v1  }
0x32: {  	v4 =	vshll.u32 v0, $0x3;
	v3 =	vshll.u32 v1, $0xE  }
0x33: {  	v4 =	vand.u32 $0xFFFFFC00, v4;
	v1 =	vshll.u32 v1, $0x7;
	v3 =	vand.u32 $0xFFFE0000, v3  }
0x34: {  	v0 =	vand.u32 $0x7F, v0;
	v1 =	vand.u32 $0x380, v1;
	v3 =	vadd.s32 v4, v3  }
0x35: {  	vm1 =	veq.s32 v2, $0x80000000;
	v1 =	vor.u32 v1, v3;
	v3 =	vshrl.u32 v2, $0xE  }
0x36: {  	s17 =	sadd.s32 $0x10, s15;
	v2 =	vand.u32 $0x3FFF, v2;
	v1 =	vor.u32 v0, v1;
	v3 =	vand.u32 $0x3F, v3  }
0x37: {  	v0 =	vld.msk [tilespmem:s17+$0x0 ss:$0x1], $0xffff;
	v2 =	vsel vm1, $0xFFFFFFFF, v2;
	v3 =	vsel vm1, $0xFFFFFFFF, v3  }
0x38: {  	v5 =	vshll.u32 v2, $0x3;
	v63 =	vshll.u32 v3, $0xE  }
0x39: {  	s31 =	sshll.u32 s12, $0x8;
	v5 =	vand.u32 $0xFFFFFC00, v5;
	v3 =	vshll.u32 v3, $0x7;
	v4 =	vand.u32 $0xFFFE0000, v63  }
0x3a: {  	s14 =	sor.u32 $0x200, s14;
	s15 =	sand.u32 $0x100, s31;
	(ifvalue) =	ssetifvalue $0x7FFFFFFF;
	v3 =	vand.u32 $0x380, v3;
	v4 =	vadd.s32 v5, v4  }
0x3b: {  	[tilespmem:s14], [sflag:$0x1] =	stream.indirect_vreg.gather [hbm4b:s2+s10], $0x1, v1, vm0, $0x4038;
	v1 =	vand.u32 $0x7F, v2;
	v3 =	vor.u32 v3, v4;
	[tilespmem:$0x400] =	vst v63  }
0x3c: {  	s16 =	simm.s32 $0x20;
	s15 =	sor.u32 $0x200, s15;
	s17 =	sadd.s32 $0x10, s17;
	v2 =	vshrl.u32 v0, $0xE;
	v1 =	vor.u32 v1, v3  }
.LBB2_3:
0x3d: {  	s16 =	sadd.s32 $0x10, s16;
	vm1 =	veq.s32 v0, $0x80000000;
	v3 =	vand.u32 $0x3FFF, v0;
	v0 =	vld.msk [tilespmem:s17+$0x0 ss:$0x1], $0xffff;
	v2 =	vand.u32 $0x3F, v2  }
0x3e: {  	p1 =	slt.u32 s16, $0xF0;
	v3 =	vsel vm1, $0xFFFFFFFF, v3;
	v2 =	vsel vm1, $0xFFFFFFFF, v2  }
.Ltmp3:
0x3f: {  	v4 =	vshll.u32 v2, $0xE;
	v5 =	vshll.u32 v3, $0x3;
	(pc) =	sbr.rel @p1 .LBB2_3-.Ltmp3, $4  }
0x40: {  	s14 =	sadd.s32 $0x10, s14;
	v2 =	vshll.u32 v2, $0x7;
	v4 =	vand.u32 $0xFFFE0000, v4;
	v5 =	vand.u32 $0xFFFFFC00, v5;
	(ifvalue) =	ssetifvalue $0x7FFFFFFF  }
0x41: {  	v2 =	vand.u32 $0x380, v2;
	v4 =	vadd.s32 v5, v4;
	[tilespmem:s14], [sflag:$0x1] =	stream.indirect_vreg.gather [hbm4b:s2+s10], $0x1, v1, vm0, $0x4038;
	[tilespmem:$0x400] =	vst v63  }
0x42: {  	v1 =	vand.u32 $0x7F, v3;
	v3 =	vor.u32 v2, v4  }
0x43: {  	s17 =	sadd.s32 $0x10, s17;
	v2 =	vshrl.u32 v0, $0xE;
	v1 =	vor.u32 v1, v3  }
.Ltmp4:
0x44: {  	_ = 	snop;
	(pc) =	sbr.rel .LBB2_4-.Ltmp4, $1  }
0x45: {  	_ =	sdelay $0x3  }
.LBB2_6:
0x46: {  	_ =	sfence.sel $0x180000  }
0x47: {  	s2 =	simm.s32 $0x2;
	[bflag:$0x0] =	sbarrier.arrive $0xFFFF  }
0x48: {  	s30 =	simm.s32 $0x3;
	[sflag:s2] =	ssyncpa.u1 $0x1  }
0x49: {  	s31 =	simm.s32 $0x1;
	[sflag:s30] =	ssyncpa.u1 $0x1  }
0x4a: {  	[sflag:s31] =	ssyncpa.u1 $0x1  }
0x4b: {  	p0 =	sne.s32 s0, $0x0;
	_ =	strace $0x90000047  }
0x4c: {  	s0 =	sadd.s32 @!p0 $0x100000, s1;
	[bflag:$0x2] =	sbarrier.arrive $0xFFFF  }
0x4d: {  	[sflag:s0] =	ssyncadd.tile.s32 @!p0 $0x1;
	_ =	shalt  }
.Lfunc_end2:
_tile_overlayer_lowered:
.L_overlay_start_2:
0x4e: {  	(tag) =	ssettag $0x2  }
0x4f: {  	s0 =	rddreg [dreg:$0x0];
	s2 =	stileid.u32  }
0x50: {  	s1 =	rddreg [dreg:$0x1];
	p0 =	sne.s32 s2, $0x0  }
0x51: {  	s3 =	rddreg [dreg:$0x2];
	[bflag:$0x3] =	sbarrier.arrive $0xFFFF;
	s2 =	simm.s32 @!p0 $0x1C01  }
0x52: {  	[timem:s3], [sflag:s2] =	dma.local @!p0 [hbm:s0], s1  }
0x53: {  	s0 =	simm.s32 @!p0 $0x1  }
0x54: {  	_ =	swait.ge @!p0 [sflag:s0], s1  }
0x55: {  	s1 =	ssub.s32 @!p0 $0x0, s1;
	[sflag:s0] =	ssyncset.done @!p0 $0x0  }
0x56: {  	[sflag:s0] =	ssyncadd.s32 @!p0 s1  }
0x57: {  	[bflag:$0x3] =	sbarrier.arrive $0xFFFF  }
0x58: {  	_ =	shalt  }

</sc_bundles>
